<compile_context>
chip_gen: v7x
topology: tpu7x:2x2x1
jax: 0.10.2.dev20260603
libtpu: 0.0.44.dev20260713+nightly
codegen_flags: <defaults>
</compile_context>

<pallas_src>
import functools

import jax
import jax.numpy as jnp
from jax import lax
from jax.experimental import pallas as pl
from jax.experimental.pallas import tpu as pltpu
from jax.experimental.pallas import tpu_sc as plsc

DIM = 2048
MAX_LEN = 8192

NC = 2
NS = 16
L = 16
NW = NC * NS
CHUNK = DIM // NW


def _sc_body(x_hbm, pos_hbm, k_hbm, v_hbm, out_hbm, xv, kv, vv, ov, posv):
    wid = lax.axis_index("s") * NC + lax.axis_index("c")
    base = wid * CHUNK
    pltpu.sync_copy(pos_hbm, posv)
    pltpu.sync_copy(x_hbm.at[pl.ds(base, CHUNK)], xv)
    pltpu.sync_copy(k_hbm.at[pl.ds(base, CHUNK)], kv)
    pltpu.sync_copy(v_hbm.at[pl.ds(base, CHUNK)], vv)
    pv = posv[...]
    wrote = (pv == 0) | (pv <= -MAX_LEN)
    for j in range(CHUNK // L):
        sl = pl.ds(j * L, L)
        xs = xv[sl]
        ks = kv[sl]
        vs = vv[sl]
        new0 = jnp.maximum(xs * 2.0 + 1.0, 0.0) + ks
        ov[sl] = jnp.where(wrote, new0 + new0, ks + vs)
    pltpu.sync_copy(ov, out_hbm.at[pl.ds(base, CHUNK)])


_sc_row_update = functools.partial(
    pl.kernel,
    mesh=plsc.VectorSubcoreMesh(core_axis_name="c", subcore_axis_name="s"),
    out_type=jax.ShapeDtypeStruct((DIM,), jnp.float32),
    scratch_types=[
        pltpu.VMEM((CHUNK,), jnp.float32),
        pltpu.VMEM((CHUNK,), jnp.float32),
        pltpu.VMEM((CHUNK,), jnp.float32),
        pltpu.VMEM((CHUNK,), jnp.float32),
        pltpu.VMEM((L,), jnp.int32),
    ],
)(_sc_body)


def kernel(x, input_pos, k_cache, v_cache):
    x0 = lax.slice(x, (0, 0, 0, 0), (1, 1, 1, DIM)).reshape(DIM)
    k0 = lax.slice(k_cache, (0, 0, 0, 0), (1, 1, 1, DIM)).reshape(DIM)
    v0 = lax.slice(v_cache, (0, 0, 0, 0), (1, 1, 1, DIM)).reshape(DIM)
    pos16 = jnp.broadcast_to(input_pos, (L,))
    out = _sc_row_update(x0, pos16, k0, v0)
    return out.reshape(1, 1, 1, DIM)

# --- scband reference (transcript-rebuilt; emitter-appended) ---
"""Pipeline reference for scband-multi-op-cache-model-79336635892009 (READ-ONLY COPY).

The authoritative reference and input builder live on the scoring server;
editing this copy changes nothing except your own understanding.
"""

import jax, jax.numpy as jnp
import numpy as np

DIM = 2048
MAX_LEN = 8192
SEQ = 1024


def setup_inputs(seed: int = 0) -> dict:
    key = jax.random.key(seed)
    x = jax.random.normal(jax.random.fold_in(key, 0), (1, 1, SEQ, DIM), dtype=jnp.float32)
    input_pos = jnp.zeros((1,), dtype=jnp.int32)
    # Mutable KV-cache buffers: shape [max_batch_size=1, n_heads=1, max_context_length, head_dim]
    k_cache = jnp.zeros((1, 1, MAX_LEN, DIM), dtype=jnp.float32)
    v_cache = jnp.zeros((1, 1, MAX_LEN, DIM), dtype=jnp.float32)
    return {"x": x, "input_pos": input_pos, "k_cache": k_cache, "v_cache": v_cache}


def reference(x, input_pos, k_cache, v_cache):
    # 1. elementwise ops
    z = jax.nn.relu(x * 2.0 + 1.0)
    # 2. read old cache value at pos 0
    old_k = k_cache[:, :, :1, :]
    # 3. accumulate (broadcast over seq dim)
    new_val = z + old_k
    # 4. scatter-overwrite into both caches at dynamic position input_pos
    pos = input_pos[0]
    start = (0, 0, pos, 0)
    k_new = jax.lax.dynamic_update_slice(k_cache, new_val, start)
    v_new = jax.lax.dynamic_update_slice(v_cache, new_val, start)
    # 5. return sum of both cache slices at pos 0
    return k_new[:, :, :1, :] + v_new[:, :, :1, :]

if __name__ == "__main__":
    import jax
    _d = setup_inputs()
    print(jax.jit(kernel)(*tuple(_d.values())))

</pallas_src>

<mosaic_0001>
#map = affine_map<(d0, d1) -> (0)>
module attributes {stable_mosaic.version = 14 : i64} {
  func.func @_sc_body(%arg0: i32, %arg1: i32, %arg2: memref<2048xf32, #tpu.memory_space<hbm>>, %arg3: memref<16xi32, #tpu.memory_space<hbm>>, %arg4: memref<2048xf32, #tpu.memory_space<hbm>>, %arg5: memref<2048xf32, #tpu.memory_space<hbm>>, %arg6: memref<2048xf32, #tpu.memory_space<hbm>>, %arg7: memref<64xf32, #tpu.memory_space<vmem>>, %arg8: memref<64xf32, #tpu.memory_space<vmem>>, %arg9: memref<64xf32, #tpu.memory_space<vmem>>, %arg10: memref<64xf32, #tpu.memory_space<vmem>>, %arg11: memref<16xi32, #tpu.memory_space<vmem>>) attributes {dimension_semantics = [#tpu.dimension_semantics<core_parallel>, #tpu.dimension_semantics<subcore_parallel>], iteration_bounds = array<i64: 2, 16>, scalar_prefetch = 0 : i64, scratch_operands = 5 : i64, tpu.core_type = #tpu.core_type<sc_vector_subcore>, window_params = [{transform_indices = #map}, {transform_indices = #map}, {transform_indices = #map}, {transform_indices = #map}, {transform_indices = #map}]} {
    %mul3A = arith.constant 2 : i32
    %mul3A_0 = arith.muli %arg1, %mul3A : i32
    %add3A = arith.addi %mul3A_0, %arg0 : i32
    %mul3A_1 = arith.constant 64 : i32
    %mul3A_2 = arith.muli %add3A, %mul3A_1 : i32
    "tpu.region"() ({
      %run_scoped3A = tpu.sem_alloc : memref<!tpu.dma_semaphore, #tpu.memory_space<semaphore_mem>>
      tpu.enqueue_dma source(%arg3 : memref<16xi32, #tpu.memory_space<hbm>>) target(%arg11 : memref<16xi32, #tpu.memory_space<vmem>>) target_semaphore(%run_scoped3A : memref<!tpu.dma_semaphore, #tpu.memory_space<semaphore_mem>>)
      tpu.wait_dma2 semaphore(%run_scoped3A : memref<!tpu.dma_semaphore, #tpu.memory_space<semaphore_mem>>) src(%arg3 : memref<16xi32, #tpu.memory_space<hbm>>) dst(%arg11 : memref<16xi32, #tpu.memory_space<vmem>>)
      tpu.yield
    }) : () -> ()
    "tpu.region"() ({
      %run_scoped3A = tpu.sem_alloc : memref<!tpu.dma_semaphore, #tpu.memory_space<semaphore_mem>>
      %dma_start3A = tpu.memref_slice %arg2[%mul3A_2] : memref<2048xf32, #tpu.memory_space<hbm>> -> memref<64xf32, #tpu.memory_space<hbm>>
      %dma_start3A_110 = tpu.memref_slice %arg2[%mul3A_2] : memref<2048xf32, #tpu.memory_space<hbm>> -> memref<64xf32, #tpu.memory_space<hbm>>
      tpu.enqueue_dma source(%dma_start3A_110 : memref<64xf32, #tpu.memory_space<hbm>>) target(%arg7 : memref<64xf32, #tpu.memory_space<vmem>>) target_semaphore(%run_scoped3A : memref<!tpu.dma_semaphore, #tpu.memory_space<semaphore_mem>>)
      %dma_wait3A = tpu.memref_slice %arg2[%mul3A_2] : memref<2048xf32, #tpu.memory_space<hbm>> -> memref<64xf32, #tpu.memory_space<hbm>>
      %dma_wait3A_111 = tpu.memref_slice %arg2[%mul3A_2] : memref<2048xf32, #tpu.memory_space<hbm>> -> memref<64xf32, #tpu.memory_space<hbm>>
      tpu.wait_dma2 semaphore(%run_scoped3A : memref<!tpu.dma_semaphore, #tpu.memory_space<semaphore_mem>>) src(%dma_wait3A_111 : memref<64xf32, #tpu.memory_space<hbm>>) dst(%arg7 : memref<64xf32, #tpu.memory_space<vmem>>)
      tpu.yield
    }) : () -> ()
    "tpu.region"() ({
      %run_scoped3A = tpu.sem_alloc : memref<!tpu.dma_semaphore, #tpu.memory_space<semaphore_mem>>
      %dma_start3A = tpu.memref_slice %arg4[%mul3A_2] : memref<2048xf32, #tpu.memory_space<hbm>> -> memref<64xf32, #tpu.memory_space<hbm>>
      %dma_start3A_110 = tpu.memref_slice %arg4[%mul3A_2] : memref<2048xf32, #tpu.memory_space<hbm>> -> memref<64xf32, #tpu.memory_space<hbm>>
      tpu.enqueue_dma source(%dma_start3A_110 : memref<64xf32, #tpu.memory_space<hbm>>) target(%arg8 : memref<64xf32, #tpu.memory_space<vmem>>) target_semaphore(%run_scoped3A : memref<!tpu.dma_semaphore, #tpu.memory_space<semaphore_mem>>)
      %dma_wait3A = tpu.memref_slice %arg4[%mul3A_2] : memref<2048xf32, #tpu.memory_space<hbm>> -> memref<64xf32, #tpu.memory_space<hbm>>
      %dma_wait3A_111 = tpu.memref_slice %arg4[%mul3A_2] : memref<2048xf32, #tpu.memory_space<hbm>> -> memref<64xf32, #tpu.memory_space<hbm>>
      tpu.wait_dma2 semaphore(%run_scoped3A : memref<!tpu.dma_semaphore, #tpu.memory_space<semaphore_mem>>) src(%dma_wait3A_111 : memref<64xf32, #tpu.memory_space<hbm>>) dst(%arg8 : memref<64xf32, #tpu.memory_space<vmem>>)
      tpu.yield
    }) : () -> ()
    "tpu.region"() ({
      %run_scoped3A = tpu.sem_alloc : memref<!tpu.dma_semaphore, #tpu.memory_space<semaphore_mem>>
      %dma_start3A = tpu.memref_slice %arg5[%mul3A_2] : memref<2048xf32, #tpu.memory_space<hbm>> -> memref<64xf32, #tpu.memory_space<hbm>>
      %dma_start3A_110 = tpu.memref_slice %arg5[%mul3A_2] : memref<2048xf32, #tpu.memory_space<hbm>> -> memref<64xf32, #tpu.memory_space<hbm>>
      tpu.enqueue_dma source(%dma_start3A_110 : memref<64xf32, #tpu.memory_space<hbm>>) target(%arg9 : memref<64xf32, #tpu.memory_space<vmem>>) target_semaphore(%run_scoped3A : memref<!tpu.dma_semaphore, #tpu.memory_space<semaphore_mem>>)
      %dma_wait3A = tpu.memref_slice %arg5[%mul3A_2] : memref<2048xf32, #tpu.memory_space<hbm>> -> memref<64xf32, #tpu.memory_space<hbm>>
      %dma_wait3A_111 = tpu.memref_slice %arg5[%mul3A_2] : memref<2048xf32, #tpu.memory_space<hbm>> -> memref<64xf32, #tpu.memory_space<hbm>>
      tpu.wait_dma2 semaphore(%run_scoped3A : memref<!tpu.dma_semaphore, #tpu.memory_space<semaphore_mem>>) src(%dma_wait3A_111 : memref<64xf32, #tpu.memory_space<hbm>>) dst(%arg9 : memref<64xf32, #tpu.memory_space<vmem>>)
      tpu.yield
    }) : () -> ()
    %get3A = arith.constant 0 : index
    %get3A_3 = tpu.vector_load %arg11[%get3A] {strides = array<i32>} : memref<16xi32, #tpu.memory_space<vmem>>, vector<16xi32>,
    %get3A_4 = vector.shape_cast %get3A_3 : vector<16xi32> to vector<16xi32>
    %eq3A = arith.constant 0 : i32
    %eq3A_5 = vector.broadcast %eq3A : i32 to vector<16xi32>
    %eq3A_6 = arith.cmpi eq, %get3A_4, %eq3A_5 : vector<16xi32>
    %le3A = arith.constant -8192 : i32
    %le3A_7 = vector.broadcast %le3A : i32 to vector<16xi32>
    %le3A_8 = arith.cmpi sle, %get3A_4, %le3A_7 : vector<16xi32>
    %or3A = arith.ori %eq3A_6, %le3A_8 : vector<16xi1>
    %get3A_9 = arith.constant 0 : index
    %get3A_10 = tpu.vector_load %arg7[%get3A_9] {strides = array<i32>} : memref<64xf32, #tpu.memory_space<vmem>>, vector<16xf32>,
    %get3A_11 = vector.shape_cast %get3A_10 : vector<16xf32> to vector<16xf32>
    %get3A_12 = arith.constant 0 : index
    %get3A_13 = tpu.vector_load %arg8[%get3A_12] {strides = array<i32>} : memref<64xf32, #tpu.memory_space<vmem>>, vector<16xf32>,
    %get3A_14 = vector.shape_cast %get3A_13 : vector<16xf32> to vector<16xf32>
    %get3A_15 = arith.constant 0 : index
    %get3A_16 = tpu.vector_load %arg9[%get3A_15] {strides = array<i32>} : memref<64xf32, #tpu.memory_space<vmem>>, vector<16xf32>,
    %get3A_17 = vector.shape_cast %get3A_16 : vector<16xf32> to vector<16xf32>
    %mul3A_18 = arith.constant 2.000000e+00 : f32
    %mul3A_19 = vector.broadcast %mul3A_18 : f32 to vector<16xf32>
    %mul3A_20 = arith.mulf %get3A_11, %mul3A_19 : vector<16xf32>
    %add3A_21 = arith.constant 1.000000e+00 : f32
    %add3A_22 = vector.broadcast %add3A_21 : f32 to vector<16xf32>
    %add3A_23 = arith.addf %mul3A_20, %add3A_22 : vector<16xf32>
    %max3A = arith.constant 0.000000e+00 : f32
    %max3A_24 = vector.broadcast %max3A : f32 to vector<16xf32>
    %max3A_25 = arith.maximumf %add3A_23, %max3A_24 : vector<16xf32>
    %add3A_26 = arith.addf %max3A_25, %get3A_14 : vector<16xf32>
    %add3A_27 = arith.addf %add3A_26, %add3A_26 : vector<16xf32>
    %add3A_28 = arith.addf %get3A_14, %get3A_17 : vector<16xf32>
    %select_n3A = arith.select %or3A, %add3A_27, %add3A_28 : vector<16xi1>, vector<16xf32>
    %swap3A = arith.constant 0 : index
    %swap3A_29 = tpu.vector_load %arg10[%swap3A] {strides = array<i32>} : memref<64xf32, #tpu.memory_space<vmem>>, vector<16xf32>,
    %swap3A_30 = vector.shape_cast %swap3A_29 : vector<16xf32> to vector<16xf32>
    %swap3A_31 = vector.shape_cast %select_n3A : vector<16xf32> to vector<16xf32>
    tpu.vector_store %arg10[%swap3A], %swap3A_31 {strides = array<i32>} : memref<64xf32, #tpu.memory_space<vmem>>, vector<16xf32>,
    %get3A_32 = arith.constant 16 : index
    %get3A_33 = tpu.vector_load %arg7[%get3A_32] {strides = array<i32>} : memref<64xf32, #tpu.memory_space<vmem>>, vector<16xf32>,
    %get3A_34 = vector.shape_cast %get3A_33 : vector<16xf32> to vector<16xf32>
    %get3A_35 = arith.constant 16 : index
    %get3A_36 = tpu.vector_load %arg8[%get3A_35] {strides = array<i32>} : memref<64xf32, #tpu.memory_space<vmem>>, vector<16xf32>,
    %get3A_37 = vector.shape_cast %get3A_36 : vector<16xf32> to vector<16xf32>
    %get3A_38 = arith.constant 16 : index
    %get3A_39 = tpu.vector_load %arg9[%get3A_38] {strides = array<i32>} : memref<64xf32, #tpu.memory_space<vmem>>, vector<16xf32>,
    %get3A_40 = vector.shape_cast %get3A_39 : vector<16xf32> to vector<16xf32>
    %mul3A_41 = arith.constant 2.000000e+00 : f32
    %mul3A_42 = vector.broadcast %mul3A_41 : f32 to vector<16xf32>
    %mul3A_43 = arith.mulf %get3A_34, %mul3A_42 : vector<16xf32>
    %add3A_44 = arith.constant 1.000000e+00 : f32
    %add3A_45 = vector.broadcast %add3A_44 : f32 to vector<16xf32>
    %add3A_46 = arith.addf %mul3A_43, %add3A_45 : vector<16xf32>
    %max3A_47 = arith.constant 0.000000e+00 : f32
    %max3A_48 = vector.broadcast %max3A_47 : f32 to vector<16xf32>
    %max3A_49 = arith.maximumf %add3A_46, %max3A_48 : vector<16xf32>
    %add3A_50 = arith.addf %max3A_49, %get3A_37 : vector<16xf32>
    %add3A_51 = arith.addf %add3A_50, %add3A_50 : vector<16xf32>
    %add3A_52 = arith.addf %get3A_37, %get3A_40 : vector<16xf32>
    %select_n3A_53 = arith.select %or3A, %add3A_51, %add3A_52 : vector<16xi1>, vector<16xf32>
    %swap3A_54 = arith.constant 16 : index
    %swap3A_55 = tpu.vector_load %arg10[%swap3A_54] {strides = array<i32>} : memref<64xf32, #tpu.memory_space<vmem>>, vector<16xf32>,
    %swap3A_56 = vector.shape_cast %swap3A_55 : vector<16xf32> to vector<16xf32>
    %swap3A_57 = vector.shape_cast %select_n3A_53 : vector<16xf32> to vector<16xf32>
    tpu.vector_store %arg10[%swap3A_54], %swap3A_57 {strides = array<i32>} : memref<64xf32, #tpu.memory_space<vmem>>, vector<16xf32>,
    %get3A_58 = arith.constant 32 : index
    %get3A_59 = tpu.vector_load %arg7[%get3A_58] {strides = array<i32>} : memref<64xf32, #tpu.memory_space<vmem>>, vector<16xf32>,
    %get3A_60 = vector.shape_cast %get3A_59 : vector<16xf32> to vector<16xf32>
    %get3A_61 = arith.constant 32 : index
    %get3A_62 = tpu.vector_load %arg8[%get3A_61] {strides = array<i32>} : memref<64xf32, #tpu.memory_space<vmem>>, vector<16xf32>,
    %get3A_63 = vector.shape_cast %get3A_62 : vector<16xf32> to vector<16xf32>
    %get3A_64 = arith.constant 32 : index
    %get3A_65 = tpu.vector_load %arg9[%get3A_64] {strides = array<i32>} : memref<64xf32, #tpu.memory_space<vmem>>, vector<16xf32>,
    %get3A_66 = vector.shape_cast %get3A_65 : vector<16xf32> to vector<16xf32>
    %mul3A_67 = arith.constant 2.000000e+00 : f32
    %mul3A_68 = vector.broadcast %mul3A_67 : f32 to vector<16xf32>
    %mul3A_69 = arith.mulf %get3A_60, %mul3A_68 : vector<16xf32>
    %add3A_70 = arith.constant 1.000000e+00 : f32
    %add3A_71 = vector.broadcast %add3A_70 : f32 to vector<16xf32>
    %add3A_72 = arith.addf %mul3A_69, %add3A_71 : vector<16xf32>
    %max3A_73 = arith.constant 0.000000e+00 : f32
    %max3A_74 = vector.broadcast %max3A_73 : f32 to vector<16xf32>
    %max3A_75 = arith.maximumf %add3A_72, %max3A_74 : vector<16xf32>
    %add3A_76 = arith.addf %max3A_75, %get3A_63 : vector<16xf32>
    %add3A_77 = arith.addf %add3A_76, %add3A_76 : vector<16xf32>
    %add3A_78 = arith.addf %get3A_63, %get3A_66 : vector<16xf32>
    %select_n3A_79 = arith.select %or3A, %add3A_77, %add3A_78 : vector<16xi1>, vector<16xf32>
    %swap3A_80 = arith.constant 32 : index
    %swap3A_81 = tpu.vector_load %arg10[%swap3A_80] {strides = array<i32>} : memref<64xf32, #tpu.memory_space<vmem>>, vector<16xf32>,
    %swap3A_82 = vector.shape_cast %swap3A_81 : vector<16xf32> to vector<16xf32>
    %swap3A_83 = vector.shape_cast %select_n3A_79 : vector<16xf32> to vector<16xf32>
    tpu.vector_store %arg10[%swap3A_80], %swap3A_83 {strides = array<i32>} : memref<64xf32, #tpu.memory_space<vmem>>, vector<16xf32>,
    %get3A_84 = arith.constant 48 : index
    %get3A_85 = tpu.vector_load %arg7[%get3A_84] {strides = array<i32>} : memref<64xf32, #tpu.memory_space<vmem>>, vector<16xf32>,
    %get3A_86 = vector.shape_cast %get3A_85 : vector<16xf32> to vector<16xf32>
    %get3A_87 = arith.constant 48 : index
    %get3A_88 = tpu.vector_load %arg8[%get3A_87] {strides = array<i32>} : memref<64xf32, #tpu.memory_space<vmem>>, vector<16xf32>,
    %get3A_89 = vector.shape_cast %get3A_88 : vector<16xf32> to vector<16xf32>
    %get3A_90 = arith.constant 48 : index
    %get3A_91 = tpu.vector_load %arg9[%get3A_90] {strides = array<i32>} : memref<64xf32, #tpu.memory_space<vmem>>, vector<16xf32>,
    %get3A_92 = vector.shape_cast %get3A_91 : vector<16xf32> to vector<16xf32>
    %mul3A_93 = arith.constant 2.000000e+00 : f32
    %mul3A_94 = vector.broadcast %mul3A_93 : f32 to vector<16xf32>
    %mul3A_95 = arith.mulf %get3A_86, %mul3A_94 : vector<16xf32>
    %add3A_96 = arith.constant 1.000000e+00 : f32
    %add3A_97 = vector.broadcast %add3A_96 : f32 to vector<16xf32>
    %add3A_98 = arith.addf %mul3A_95, %add3A_97 : vector<16xf32>
    %max3A_99 = arith.constant 0.000000e+00 : f32
    %max3A_100 = vector.broadcast %max3A_99 : f32 to vector<16xf32>
    %max3A_101 = arith.maximumf %add3A_98, %max3A_100 : vector<16xf32>
    %add3A_102 = arith.addf %max3A_101, %get3A_89 : vector<16xf32>
    %add3A_103 = arith.addf %add3A_102, %add3A_102 : vector<16xf32>
    %add3A_104 = arith.addf %get3A_89, %get3A_92 : vector<16xf32>
    %select_n3A_105 = arith.select %or3A, %add3A_103, %add3A_104 : vector<16xi1>, vector<16xf32>
    %swap3A_106 = arith.constant 48 : index
    %swap3A_107 = tpu.vector_load %arg10[%swap3A_106] {strides = array<i32>} : memref<64xf32, #tpu.memory_space<vmem>>, vector<16xf32>,
    %swap3A_108 = vector.shape_cast %swap3A_107 : vector<16xf32> to vector<16xf32>
    %swap3A_109 = vector.shape_cast %select_n3A_105 : vector<16xf32> to vector<16xf32>
    tpu.vector_store %arg10[%swap3A_106], %swap3A_109 {strides = array<i32>} : memref<64xf32, #tpu.memory_space<vmem>>, vector<16xf32>,
    "tpu.region"() ({
      %run_scoped3A = tpu.sem_alloc : memref<!tpu.dma_semaphore, #tpu.memory_space<semaphore_mem>>
      %dma_start3A = tpu.memref_slice %arg6[%mul3A_2] : memref<2048xf32, #tpu.memory_space<hbm>> -> memref<64xf32, #tpu.memory_space<hbm>>
      %dma_start3A_110 = tpu.memref_slice %arg6[%mul3A_2] : memref<2048xf32, #tpu.memory_space<hbm>> -> memref<64xf32, #tpu.memory_space<hbm>>
      tpu.enqueue_dma source(%arg10 : memref<64xf32, #tpu.memory_space<vmem>>) target(%dma_start3A_110 : memref<64xf32, #tpu.memory_space<hbm>>) target_semaphore(%run_scoped3A : memref<!tpu.dma_semaphore, #tpu.memory_space<semaphore_mem>>)
      %dma_wait3A = tpu.memref_slice %arg6[%mul3A_2] : memref<2048xf32, #tpu.memory_space<hbm>> -> memref<64xf32, #tpu.memory_space<hbm>>
      %dma_wait3A_111 = tpu.memref_slice %arg6[%mul3A_2] : memref<2048xf32, #tpu.memory_space<hbm>> -> memref<64xf32, #tpu.memory_space<hbm>>
      tpu.wait_dma2 semaphore(%run_scoped3A : memref<!tpu.dma_semaphore, #tpu.memory_space<semaphore_mem>>) src(%arg10 : memref<64xf32, #tpu.memory_space<vmem>>) dst(%dma_wait3A_111 : memref<64xf32, #tpu.memory_space<hbm>>)
      tpu.yield
    }) : () -> ()
    return
  }
}

</mosaic_0001>

<sc_bundles>
// kernel: kernel.3.cloned.1.call-start
scs
__scs_entry_jumppad:
0x0: {  	(pc) =	sbr.rel $0x88, $3  }
0x1: {  	(tag) =	ssettag $0x0;
	lr =	simm.s32 $0x1  }
0x2: {  	[smem:$0x3F9D] =	sst lr;
	_ =	strace $0xD0000000  }
0x3: {  	_ = 	snop  }
0x4: {  	_ = 	snop  }
0x5: {  	_ = 	snop  }
0x6: {  	_ = 	snop  }
0x7: {  	_ = 	snop  }
__scs_overlays_trampoline_lowered:
0x8: {  	[smem:$0x3FAC] =	sst s0  }
0x9: {  	[smem:$0x3FAD] =	sst s1  }
0xa: {  	[smem:$0x3FAE] =	sst s2  }
0xb: {  	[smem:$0x3FAF] =	sst s3  }
0xc: {  	[smem:$0x3FB0] =	sst s4  }
0xd: {  	[smem:$0x3FB1] =	sst s5  }
0xe: {  	[smem:$0x3FB2] =	sst s6  }
0xf: {  	[smem:$0x3FB3] =	sst s7  }
0x10: {  	[smem:$0x3FB4] =	sst s8  }
0x11: {  	[smem:$0x3FB5] =	sst s9;
	s0 =	simm.s32 @!p0 $0x0  }
0x12: {  	s1 =	sld [smem:$0x3F9B];
	s0 =	simm.s32 @p0 $0x1  }
0x13: {  	[smem:$0x3FB6] =	sst s0;
	s0 =	simm.s32 @!p1 $0x0  }
0x14: {  	s2 =	sld [smem:$0x3F9A];
	s0 =	simm.s32 @p1 $0x1  }
0x15: {  	[smem:$0x3FB7] =	sst s0;
	s0 =	simm.s32 @!p2 $0x0  }
0x16: {  	s3 =	sld [smem:$0x3FDB];
	s0 =	simm.s32 @p2 $0x1  }
0x17: {  	s4 =	simm.s32 $0x1BF5;
	[smem:$0x3FB9] =	sst s0  }
0x18: {  	s0 =	sld [smem:$0x3F9C];
	_ =	swait.ge [sflag:s4], $0x0  }
0x19: {  	s7 =	sld [smem:$0x3F9D]  }
0x1a: {  	s8 =	sadd.s32 $0xFFFFE003, lr  }
0x1b: {  	s9 =	sadd.s32 $0xFFFFFEF7, lr;
	s5 =	simm.s32 $0xFFFFFFFF;
	p2 =	slt.u32 s8, $0xFFFFF086  }
0x1c: {  	p1 =	slt.u32 s9, $0xF7A;
	s5 =	simm.s32 @!p2 $0x0  }
0x1d: {  	s5 =	simm.s32 @p1 $0x1;
	p0 =	seq.s32 s7, s2  }
0x1e: {  	s7 =	smul.u32 @!p0 $0xF7A, s2;
	p2 =	seq.s32 @!p0 s5, $0x0  }
0x1f: {  	s9 =	smul.u32 $0xF7A, s1;
	s8 =	simm.s32 @!p0 $0x1BF5;
	p2 =	por !p2, p0  }
0x20: {  	[sflag:s8] =	ssyncset.s32 @!p0 $0xFFFFF086;
	s6 =	sadd.s32 @!p0 s3, s7;
	s7 =	simm.s32 @!p0 $0x108  }
0x21: {  	s3 =	sadd.s32 s3, s9;
	s6 =	sadd.s32 @!p0 $0x88, s6;
	s7 =	simm.s32 @p2 $0x1082  }
0x22: {  	[simem:s7], [sflag:s8] =	dma.local @!p0 [hbm:s6], $0xF7A  }
0x23: {  	s9 =	sor.u32 $0xD0000000, s2;
	s6 =	simm.s32 $0x108;
	_ =	swait.ge @!p0 [sflag:s8], $0x0  }
0x24: {  	s3 =	sadd.s32 $0x88, s3;
	s6 =	simm.s32 @!p1 $0x1082;
	[sflag:s4] =	ssyncset.s32 $0xFFFFF086  }
0x25: {  	[simem:s6], [sflag:s4] =	dma.local [hbm:s3], $0xF7A  }
0x26: {  	[smem:$0x3F9D] =	sst s1;
	(tag) =	ssettag s2;
	_ =	strace s9  }
0x27: {  	s1 =	sld [smem:$0x3FAD]  }
0x28: {  	s2 =	sld [smem:$0x3FAE]  }
0x29: {  	s4 =	sld [smem:$0x3FB0]  }
0x2a: {  	p0 =	seq.s32 s5, $0x0;
	s5 =	sld [smem:$0x3FB1]  }
0x2b: {  	s6 =	sld [smem:$0x3FB2]  }
0x2c: {  	s7 =	sld [smem:$0x3FB3]  }
0x2d: {  	s3 =	simm.s32 $0x108;
	s8 =	sld [smem:$0x3FB4]  }
0x2e: {  	s3 =	simm.s32 @!p0 $0x1082;
	s9 =	sld [smem:$0x3FB5]  }
0x2f: {  	lr =	sadd.s32 s0, s3;
	s0 =	sld [smem:$0x3FAC]  }
0x30: {  	s3 =	sld [smem:$0x3FAF]  }
0x31: {  	[smem:$0x3FB8] =	sst s10  }
0x32: {  	s10 =	sld [smem:$0x3FB6];
	_ =	sdelay $0x3  }
0x33: {  	p0 =	seq.s32 s10, $0x1;
	s10 =	sld [smem:$0x3FB8];
	_ =	sdelay $0x3  }
0x34: {  	[smem:$0x3FB8] =	sst s10  }
0x35: {  	s10 =	sld [smem:$0x3FB7];
	_ =	sdelay $0x3  }
0x36: {  	p1 =	seq.s32 s10, $0x1;
	s10 =	sld [smem:$0x3FB8];
	_ =	sdelay $0x3  }
0x37: {  	[smem:$0x3FB8] =	sst s10  }
0x38: {  	s10 =	sld [smem:$0x3FB9]  }
0x39: {  	_ = 	snop;
	(pc) =	sbr.ind lr, $3  }
0x3a: {  	_ = 	snop  }
0x3b: {  	_ = 	snop  }
0x3c: {  	p2 =	seq.s32 s10, $0x1;
	s10 =	sld [smem:$0x3FB8]  }
0x3d: {  	_ =	shalt  }
0x3e: {  	_ =	shalt  }
0x3f: {  	_ =	shalt  }
0x40: {  	_ =	shalt  }
0x41: {  	_ =	shalt  }
0x42: {  	_ =	shalt  }
0x43: {  	_ =	shalt  }
0x44: {  	_ =	shalt  }
0x45: {  	_ =	shalt  }
0x46: {  	_ =	shalt  }
0x47: {  	_ =	shalt  }
0x48: {  	_ =	shalt  }
0x49: {  	_ =	shalt  }
0x4a: {  	_ =	shalt  }
0x4b: {  	_ =	shalt  }
0x4c: {  	_ =	shalt  }
0x4d: {  	_ =	shalt  }
0x4e: {  	_ =	shalt  }
0x4f: {  	_ =	shalt  }
0x50: {  	_ =	shalt  }
0x51: {  	_ =	shalt  }
0x52: {  	_ =	shalt  }
0x53: {  	_ =	shalt  }
0x54: {  	_ =	shalt  }
0x55: {  	_ =	shalt  }
0x56: {  	_ =	shalt  }
0x57: {  	_ =	shalt  }
0x58: {  	_ =	shalt  }
0x59: {  	_ =	shalt  }
0x5a: {  	_ =	shalt  }
0x5b: {  	_ =	shalt  }
0x5c: {  	_ =	shalt  }
0x5d: {  	_ =	shalt  }
0x5e: {  	_ =	shalt  }
0x5f: {  	_ =	shalt  }
0x60: {  	_ =	shalt  }
0x61: {  	_ =	shalt  }
0x62: {  	_ =	shalt  }
0x63: {  	_ =	shalt  }
0x64: {  	_ =	shalt  }
0x65: {  	_ =	shalt  }
0x66: {  	_ =	shalt  }
0x67: {  	_ =	shalt  }
0x68: {  	_ =	shalt  }
0x69: {  	_ =	shalt  }
0x6a: {  	_ =	shalt  }
0x6b: {  	_ =	shalt  }
0x6c: {  	_ =	shalt  }
0x6d: {  	_ =	shalt  }
0x6e: {  	_ =	shalt  }
0x6f: {  	_ =	shalt  }
0x70: {  	_ =	shalt  }
0x71: {  	_ =	shalt  }
0x72: {  	_ =	shalt  }
0x73: {  	_ =	shalt  }
0x74: {  	_ =	shalt  }
0x75: {  	_ =	shalt  }
0x76: {  	_ =	shalt  }
0x77: {  	_ =	shalt  }
0x78: {  	_ =	shalt  }
0x79: {  	_ =	shalt  }
0x7a: {  	_ =	shalt  }
0x7b: {  	_ =	shalt  }
0x7c: {  	_ =	shalt  }
0x7d: {  	_ =	shalt  }
0x7e: {  	_ =	shalt  }
0x7f: {  	_ =	shalt  }
0x80: {  	_ =	shalt  }
0x81: {  	_ =	shalt  }
0x82: {  	_ =	shalt  }
0x83: {  	_ =	shalt  }
0x84: {  	_ =	shalt  }
0x85: {  	_ =	shalt  }
0x86: {  	_ =	shalt  }
0x87: {  	_ =	shalt  }
.Lfunc_end0:
.L_simem_size_0:
called_computation_lowered:
.L_overlay_start_0:
0x88: {  	s2 =	sld [smem:$0x3FD9]  }
0x89: {  	s3 =	sld [smem:$0x3FFE];
	_ =	sdelay $0x1  }
0x8a: {  	s1 =	srdreg.scid  }
0x8b: {  	s0 =	sand.u32 $0x1, s1  }
0x8c: {  	s17 =	sshll.u32 s0, $0xA;
	s2 =	sadd.s32 s3, s2  }
0x8d: {  	s2 =	sadd.s32 s2, s17  }
0x8e: {  	[smem:$0x3FC4] =	sst s2  }
0x8f: {  	_ = 	snop  }
0x90: {  	s2 =	sld [smem:$0x3FD0];
	(tm) =	ssettm $0x1  }
0x91: {  	s18 =	sld [smem:$0x3FFB];
	_ =	sdelay $0x3  }
0x92: {  	_ =	strace s18  }
0x93: {  	s3 =	sld [smem:$0x3FFC];
	_ =	sdelay $0x3  }
0x94: {  	_ =	strace s3  }
0x95: {  	s3 =	sld [smem:$0x3FFD];
	_ =	sdelay $0x3  }
0x96: {  	_ =	strace s3  }
0x97: {  	_ =	strace $0x8FFFFFFF  }
0x98: {  	s19 =	sld [smem:$0x3FDB];
	_ =	sdelay $0x1  }
0x99: {  	s4 =	simm.s32 $_scs_section_size  }
0x9a: {  	s5 =	simm.s32 $_size__tile_overlayer_lowered;
	s6 =	simm.s32 $_tile_overlayer_lowered  }
0x9b: {  	s22 =	simm.s32 $0x1BFF;
	s21 =	sshll.u32 s6, $0x1;
	s3 =	sadd.s32 s4, s19  }
0x9c: {  	s7 =	simm.s32 $0x0;
	s20 =	sshll.u32 s5, $0x1;
	s5 =	sadd.s32 s21, s3  }
0x9d: {  	[timem:s7], [sflag:s22] =	dma.local [hbm:s5], s20  }
0x9e: {  	_ =	swait.ge [sflag:s22], s20  }
0x9f: {  	s4 =	ssub.s32 $0x0, s20;
	[sflag:s22] =	ssyncset.done $0x0  }
0xa0: {  	[sflag:s22] =	ssyncadd.s32 s4;
	_ =	sdelay $0x1  }
0xa1: {  	s23 =	simm.s32 $0x1B8B  }
0xa2: {  	_ =	swait.ge [sflag:s23], $0x1  }
0xa3: {  	[sflag:s23] =	ssyncset.done $0x0  }
0xa4: {  	s25 =	simm.s32 $0x1B8E;
	s24 =	sld [smem:$0x3FFE];
	[sflag:s23] =	ssyncadd.s32 $0xFFFFFFFF  }
0xa5: {  	s26 =	simm.s32 $execute0_lowered;
	[smem:$0x3FD2] =	sst s25  }
0xa6: {  	s5 =	sshll.u32 s26, $0x1;
	_ =	strace $0x80000046;
	[dreg:$0x1] =	wrdreg $0xFFFFFFFF  }
0xa7: {  	s28 =	simm.s32 $_size_execute0_lowered;
	s3 =	sadd.s32 s3, s5;
	[dreg:$0x0] =	wrdreg $0x0  }
0xa8: {  	s5 =	sshll.u32 s28, $0x1;
	[dreg:$0x2] =	wrdreg s3  }
0xa9: {  	[dreg:$0x3] =	wrdreg s5  }
0xaa: {  	[dreg:$0x4] =	wrdreg $0xC0  }
0xab: {  	_ =	task [dreg:s7], $0x5FFFF  }
0xac: {  	[dreg:$0x1] =	wrdreg $0xFFFFFFFF  }
0xad: {  	[dreg:$0x0] =	wrdreg $0x60  }
0xae: {  	[dreg:$0x2] =	wrdreg s24  }
0xaf: {  	[dreg:$0x3] =	wrdreg s2  }
0xb0: {  	[dreg:$0x4] =	wrdreg $0x9  }
0xb1: {  	_ =	task.clear_ibuf [dreg:s7], $0x5FFFF;
	_ =	strace $0x90000046  }
0xb2: {  	s29 =	simm.s32 $0x9;
	_ =	strace $0x80000048  }
0xb3: {  	_ =	swait.ge [sflag:s29], $0x1  }
0xb4: {  	[sflag:s29] =	ssyncadd.s32 $0xFFFFFFFF  }
0xb5: {  	_ =	strace $0x90000048  }
0xb6: {  	_ =	sfence  }
0xb7: {  	s30 =	sld [smem:$0x0];
	_ =	sdelay $0x2  }
0xb8: {  	s31 =	sshll.u32 s1, $0xD;
	s1 =	sshrl.u32 s1, $0x2  }
0xb9: {  	s3 =	sand.u32 $0x4000, s31;
	s1 =	sadd.s32 s1, s30  }
0xba: {  	s0 =	sor.u32 s3, s0;
	s1 =	sshll.u32 s1, $0x11  }
0xbb: {  	s0 =	sor.u32 s1, s0  }
0xbc: {  	s0 =	sadd.s32 $0x8F2B, s0  }
0xbd: {  	[sflag:s0] =	ssyncadd.remote.s32 $0x1  }
0xbe: {  	_ =	sfence.sel $0xFFFF  }
0xbf: {  	[dreg:$0x0] =	wrdreg $0xFFFFFFFF;
	(pc) =	sbr.abs _section_cstart, $3  }
0xc0: {  	[dreg:$0x1] =	wrdreg $0xFFFFFFFF  }
0xc1: {  	_ =	task.clear_ibuf [dreg:s7], $0x2FFFF;
	_ =	strace $0x9FFFFFFF  }
0xc2: {  	(tm) =	ssettm $0x7FFFFFFF  }
0xc3: {  	_ =	shalt  }
tec
execute0_lowered:
.L_overlay_start_1:
0x0: {  	(tag) =	ssettag $0x1  }
0x1: {  	s2 =	srdreg.scid  }
0x2: {  	s5 =	sand.u32 $0x1, s2  }
0x3: {  	s3 =	rddreg [dreg:$0x0];
	s7 =	sshll.u32 s5, $0x3;
	s5 =	ssub.s32 $0x2, s5  }
0x4: {  	s4 =	rddreg [dreg:$0x1];
	s31 =	sshrl.u32 s5, $0x1  }
0x5: {  	s0 =	rddreg [dreg:$0x2];
	s1 =	stileid.u32;
	s5 =	ssub.s32 s5, s31  }
0x6: {  	s12 =	simm.s32 $0x200;
	s11 =	simm.s32 $0x80;
	s13 =	smax.u32 s5, $0x1  }
0x7: {  	p0 =	por $0x0, $0x0;
	s2 =	simm.s32 $0x0;
	p1 =	sne.s32 s13, $0x1  }
.Ltmp0:
0x8: {  	s6 =	sshll.u32 s1, $0x4;
	[smem:$0x7FF] =	sst s2;
	(pc) =	sbr.rel @!p1 .LBB2_3-.Ltmp0, $4  }
0x9: {  	s10 =	sadd.s32 $0xA00, s3;
	s9 =	sor.u32 s7, s6;
	_ =	strace $0x80000047  }
0xa: {  	s6 =	sadd.s32 s9, s3;
	s3 =	sadd.s32 s4, s9;
	s4 =	simm.s32 $0x1  }
0xb: {  	s9 =	simm.s32 $0x100;
	s8 =	sadd.s32 $0x400, s6;
	s7 =	sadd.s32 $0x600, s6  }
0xc: {  	s6 =	sadd.s32 $0x800, s6;
	s5 =	simm.s32 $0x180;
	s13 =	sadd.s32 $0xFFFFFFFF, s13  }
0xd: {  	[tilespmem:s12], [sflag:$0x1] =	stream.linear.gather [hbm4b:s10+s2], $0x80, $0x38;
	[tilespmem:$0x280] =	vst v63  }
0xe: {  	_ =	swait.ge [sflag:s4], $0x80  }
0xf: {  	[sflag:s4] =	ssyncset.done $0x0  }
0x10: {  	[sflag:s4] =	ssyncadd.s32 $0xFFFFFF80  }
0x11: {  	[tilespmem:s2], [sflag:$0x1] =	stream.linear.gather [hbm4b:s8+s2], $0x40, $0x38;
	[tilespmem:$0x280] =	vst v63  }
0x12: {  	_ =	swait.ge [sflag:s4], $0x40  }
0x13: {  	[sflag:s4] =	ssyncset.done $0x0  }
0x14: {  	[sflag:s4] =	ssyncadd.s32 $0xFFFFFFC0  }
0x15: {  	[tilespmem:s11], [sflag:$0x1] =	stream.linear.gather [hbm4b:s7+s2], $0x40, $0x38;
	[tilespmem:$0x280] =	vst v63  }
0x16: {  	_ =	swait.ge [sflag:s4], $0x40  }
0x17: {  	[sflag:s4] =	ssyncset.done $0x0  }
0x18: {  	[sflag:s4] =	ssyncadd.s32 $0xFFFFFFC0  }
0x19: {  	[tilespmem:s9], [sflag:$0x1] =	stream.linear.gather [hbm4b:s6+s2], $0x40, $0x38;
	[tilespmem:$0x280] =	vst v63  }
0x1a: {  	_ =	swait.ge [sflag:s4], $0x40  }
0x1b: {  	[sflag:s4] =	ssyncset.done $0x0  }
0x1c: {  	[sflag:s4] =	ssyncadd.s32 $0xFFFFFFC0  }
0x1d: {  	v0 =	vld [tilespmem:$0x200]  }
0x1e: {  	v1 =	vld [tilespmem:$0x20]  }
0x1f: {  	v2 =	vld [tilespmem:$0x30]  }
0x20: {  	v3 =	vld [tilespmem:$0x10]  }
0x21: {  	v4 =	vld [tilespmem:$0x0]  }
0x22: {  	v5 =	vld [tilespmem:$0x130]  }
0x23: {  	v6 =	vld [tilespmem:$0xB0];
	_ =	sdelay $0x1  }
0x24: {  	v8 =	vld [tilespmem:$0x90];
	v2 =	vadd.f32 v2, v2  }
0x25: {  	v10 =	vld [tilespmem:$0x110];
	v1 =	vadd.f32 v1, v1;
	v3 =	vadd.f32 v3, v3  }
0x26: {  	v9 =	vld [tilespmem:$0x80];
	v4 =	vadd.f32 v4, v4;
	v2 =	vadd.f32 $1.000000000e+00, v2  }
0x27: {  	v7 =	vld [tilespmem:$0xA0];
	vm0 =	veq.s32 v0, $0x0;
	v5 =	vadd.f32 v5, v6;
	v3 =	vadd.f32 $1.000000000e+00, v3  }
0x28: {  	v11 =	vld [tilespmem:$0x100];
	vm1 =	vlt.s32 v0, $0xFFFFE001;
	v4 =	vadd.f32 $1.000000000e+00, v4;
	v2 =	vmax.f32 v2, $0.0e+00  }
0x29: {  	v59 =	vld [tilespmem:$0x120];
	v1 =	vadd.f32 $1.000000000e+00, v1;
	v3 =	vmax.f32 v3, $0.0e+00;
	v2 =	vadd.f32 v2, v6  }
0x2a: {  	v61 =	vadd.f32 v10, v8;
	v4 =	vmax.f32 v4, $0.0e+00;
	v3 =	vadd.f32 v3, v8  }
0x2b: {  	v1 =	vmax.f32 v1, $0.0e+00;
	v60 =	vadd.f32 v4, v9;
	v2 =	vadd.f32 v2, v2  }
0x2c: {  	vm0 =	vmor vm0, vm1;
	v1 =	vadd.f32 v1, v7;
	v3 =	vadd.f32 v3, v3  }
0x2d: {  	v62 =	vadd.f32 v11, v9;
	v0 =	vadd.f32 v60, v60;
	v2 =	vsel vm0, v2, v5  }
0x2e: {  	v63 =	vadd.f32 v59, v7;
	v1 =	vadd.f32 v1, v1;
	v3 =	vsel vm0, v3, v61;
	[tilespmem:$0x1B0] =	vst v2  }
0x2f: {  	p1 =	sne.s32 s13, $0x1;
	v0 =	vsel vm0, v0, v62;
	[tilespmem:$0x190] =	vst v3  }
.Ltmp1:
0x30: {  	v1 =	vsel vm0, v1, v63;
	[tilespmem:$0x180] =	vst v0;
	(pc) =	sbr.rel @!p1 .LBB2_3-.Ltmp1, $4  }
0x31: {  	[tilespmem:$0x1A0] =	vst v1  }
0x32: {  	[hbm4b:s3+s2] =	stream.linear.scatter [tilespmem:s5], [sflag:$0x1], $0x40, $0x38;
	[tilespmem:$0x280] =	vst v63  }
0x33: {  	_ =	swait.ge [sflag:s4], $0x40  }
0x34: {  	s13 =	sadd.s32 $0xFFFFFFFF, s13;
	p0 =	por $0x1, $0x1;
	[sflag:s4] =	ssyncset.done $0x0  }
.LBB2_2:
0x35: {  	p1 =	sne.s32 s13, $0x1;
	s13 =	sadd.s32 $0xFFFFFFFF, s13;
	[sflag:s4] =	ssyncadd.s32 $0xFFFFFFC0  }
0x36: {  	[tilespmem:s12], [sflag:$0x1] =	stream.linear.gather [hbm4b:s10+s2], $0x80, $0x38;
	[tilespmem:$0x280] =	vst v63  }
0x37: {  	_ =	swait.ge [sflag:s4], $0x80  }
0x38: {  	[sflag:s4] =	ssyncset.done $0x0  }
0x39: {  	[sflag:s4] =	ssyncadd.s32 $0xFFFFFF80  }
0x3a: {  	[tilespmem:s2], [sflag:$0x1] =	stream.linear.gather [hbm4b:s8+s2], $0x40, $0x38;
	[tilespmem:$0x280] =	vst v63  }
0x3b: {  	_ =	swait.ge [sflag:s4], $0x40  }
0x3c: {  	[sflag:s4] =	ssyncset.done $0x0  }
0x3d: {  	[sflag:s4] =	ssyncadd.s32 $0xFFFFFFC0  }
0x3e: {  	[tilespmem:s11], [sflag:$0x1] =	stream.linear.gather [hbm4b:s7+s2], $0x40, $0x38;
	[tilespmem:$0x280] =	vst v63  }
0x3f: {  	_ =	swait.ge [sflag:s4], $0x40  }
0x40: {  	[sflag:s4] =	ssyncset.done $0x0  }
0x41: {  	[sflag:s4] =	ssyncadd.s32 $0xFFFFFFC0  }
0x42: {  	[tilespmem:s9], [sflag:$0x1] =	stream.linear.gather [hbm4b:s6+s2], $0x40, $0x38;
	[tilespmem:$0x280] =	vst v63  }
0x43: {  	_ =	swait.ge [sflag:s4], $0x40  }
0x44: {  	[sflag:s4] =	ssyncset.done $0x0  }
0x45: {  	[sflag:s4] =	ssyncadd.s32 $0xFFFFFFC0  }
0x46: {  	v0 =	vld [tilespmem:$0x200]  }
0x47: {  	v1 =	vld [tilespmem:$0x130]  }
0x48: {  	v2 =	vld [tilespmem:$0x20]  }
0x49: {  	v3 =	vld [tilespmem:$0xB0]  }
0x4a: {  	v4 =	vld [tilespmem:$0x30]  }
0x4b: {  	vm0 =	veq.s32 v0, $0x0;
	vm1 =	vlt.s32 v0, $0xFFFFE001;
	v0 =	vld [tilespmem:$0x10]  }
0x4c: {  	v5 =	vld [tilespmem:$0x0]  }
0x4d: {  	v6 =	vld [tilespmem:$0x120];
	v2 =	vadd.f32 v2, v2  }
0x4e: {  	v7 =	vld [tilespmem:$0xA0]  }
0x4f: {  	v1 =	vadd.f32 v1, v3;
	v8 =	vld [tilespmem:$0x110];
	v4 =	vadd.f32 v4, v4  }
0x50: {  	v2 =	vadd.f32 $1.000000000e+00, v2;
	v9 =	vld [tilespmem:$0x90];
	v0 =	vadd.f32 v0, v0  }
0x51: {  	v10 =	vld [tilespmem:$0x80];
	v5 =	vadd.f32 v5, v5;
	v4 =	vadd.f32 $1.000000000e+00, v4  }
0x52: {  	v2 =	vmax.f32 v2, $0.0e+00;
	v0 =	vadd.f32 $1.000000000e+00, v0  }
0x53: {  	v11 =	vld [tilespmem:$0x100];
	v5 =	vadd.f32 $1.000000000e+00, v5;
	v6 =	vadd.f32 v6, v7;
	v4 =	vmax.f32 v4, $0.0e+00  }
0x54: {  	v2 =	vadd.f32 v2, v7;
	v0 =	vmax.f32 v0, $0.0e+00;
	v3 =	vadd.f32 v4, v3  }
0x55: {  	v4 =	vmax.f32 v5, $0.0e+00;
	v0 =	vadd.f32 v0, v9;
	v5 =	vadd.f32 v8, v9  }
0x56: {  	v4 =	vadd.f32 v4, v10;
	v3 =	vadd.f32 v3, v3  }
0x57: {  	vm0 =	vmor vm0, vm1;
	v2 =	vadd.f32 v2, v2;
	v0 =	vadd.f32 v0, v0  }
0x58: {  	v4 =	vadd.f32 v4, v4;
	v7 =	vadd.f32 v11, v10;
	v1 =	vsel vm0, v3, v1  }
0x59: {  	v2 =	vsel vm0, v2, v6;
	v0 =	vsel vm0, v0, v5;
	[tilespmem:$0x1B0] =	vst v1  }
0x5a: {  	v1 =	vsel vm0, v4, v7;
	[tilespmem:$0x190] =	vst v0  }
.Ltmp2:
0x5b: {  	[tilespmem:$0x180] =	vst v1;
	(pc) =	sbr.rel @p1 .LBB2_2-.Ltmp2, $4  }
0x5c: {  	[tilespmem:$0x1A0] =	vst v2  }
0x5d: {  	[hbm4b:s3+s2] =	stream.linear.scatter [tilespmem:s5], [sflag:$0x1], $0x40, $0x38;
	[tilespmem:$0x280] =	vst v63  }
0x5e: {  	_ =	swait.ge [sflag:s4], $0x40  }
0x5f: {  	[sflag:s4] =	ssyncset.done $0x0  }
.LBB2_3:
0x60: {  	[sflag:s4] =	ssyncadd.s32 @p0 $0xFFFFFFC0  }
0x61: {  	[tilespmem:s12], [sflag:$0x1] =	stream.linear.gather [hbm4b:s10+s2], $0x80, $0x38;
	[tilespmem:$0x280] =	vst v63  }
0x62: {  	_ =	swait.ge [sflag:s4], $0x80  }
0x63: {  	[sflag:s4] =	ssyncset.done $0x0  }
0x64: {  	[sflag:s4] =	ssyncadd.s32 $0xFFFFFF80  }
0x65: {  	[tilespmem:s2], [sflag:$0x1] =	stream.linear.gather [hbm4b:s8+s2], $0x40, $0x38;
	[tilespmem:$0x280] =	vst v63  }
0x66: {  	_ =	swait.ge [sflag:s4], $0x40  }
0x67: {  	[sflag:s4] =	ssyncset.done $0x0  }
0x68: {  	[sflag:s4] =	ssyncadd.s32 $0xFFFFFFC0  }
0x69: {  	[tilespmem:s11], [sflag:$0x1] =	stream.linear.gather [hbm4b:s7+s2], $0x40, $0x38;
	[tilespmem:$0x280] =	vst v63  }
0x6a: {  	_ =	swait.ge [sflag:s4], $0x40  }
0x6b: {  	[sflag:s4] =	ssyncset.done $0x0  }
0x6c: {  	[sflag:s4] =	ssyncadd.s32 $0xFFFFFFC0  }
0x6d: {  	[tilespmem:s9], [sflag:$0x1] =	stream.linear.gather [hbm4b:s6+s2], $0x40, $0x38;
	[tilespmem:$0x280] =	vst v63  }
0x6e: {  	_ =	swait.ge [sflag:s4], $0x40  }
0x6f: {  	[sflag:s4] =	ssyncset.done $0x0  }
0x70: {  	[sflag:s4] =	ssyncadd.s32 $0xFFFFFFC0  }
0x71: {  	v0 =	vld [tilespmem:$0x200]  }
0x72: {  	v1 =	vld [tilespmem:$0x20]  }
0x73: {  	v2 =	vld [tilespmem:$0x30]  }
0x74: {  	v3 =	vld [tilespmem:$0x10]  }
0x75: {  	v4 =	vld [tilespmem:$0x0]  }
0x76: {  	v5 =	vld [tilespmem:$0x130]  }
0x77: {  	v6 =	vld [tilespmem:$0xB0];
	_ =	sdelay $0x1  }
0x78: {  	v8 =	vld [tilespmem:$0x90];
	v2 =	vadd.f32 v2, v2  }
0x79: {  	v10 =	vld [tilespmem:$0x110];
	v1 =	vadd.f32 v1, v1;
	v3 =	vadd.f32 v3, v3  }
0x7a: {  	v9 =	vld [tilespmem:$0x80];
	v4 =	vadd.f32 v4, v4;
	v2 =	vadd.f32 $1.000000000e+00, v2  }
0x7b: {  	v7 =	vld [tilespmem:$0xA0];
	vm0 =	veq.s32 v0, $0x0;
	v5 =	vadd.f32 v5, v6;
	v3 =	vadd.f32 $1.000000000e+00, v3  }
0x7c: {  	v11 =	vld [tilespmem:$0x100];
	vm1 =	vlt.s32 v0, $0xFFFFE001;
	v4 =	vadd.f32 $1.000000000e+00, v4;
	v2 =	vmax.f32 v2, $0.0e+00  }
0x7d: {  	v59 =	vld [tilespmem:$0x120];
	v1 =	vadd.f32 $1.000000000e+00, v1;
	v3 =	vmax.f32 v3, $0.0e+00;
	v2 =	vadd.f32 v2, v6  }
0x7e: {  	v61 =	vadd.f32 v10, v8;
	v4 =	vmax.f32 v4, $0.0e+00;
	v3 =	vadd.f32 v3, v8  }
0x7f: {  	v1 =	vmax.f32 v1, $0.0e+00;
	v60 =	vadd.f32 v4, v9;
	v2 =	vadd.f32 v2, v2  }
0x80: {  	vm0 =	vmor vm0, vm1;
	v1 =	vadd.f32 v1, v7;
	v3 =	vadd.f32 v3, v3  }
0x81: {  	v62 =	vadd.f32 v11, v9;
	v0 =	vadd.f32 v60, v60;
	v2 =	vsel vm0, v2, v5  }
0x82: {  	v63 =	vadd.f32 v59, v7;
	v1 =	vadd.f32 v1, v1;
	v3 =	vsel vm0, v3, v61;
	[tilespmem:$0x1B0] =	vst v2  }
0x83: {  	v0 =	vsel vm0, v0, v62;
	[tilespmem:$0x190] =	vst v3  }
0x84: {  	v1 =	vsel vm0, v1, v63;
	[tilespmem:$0x180] =	vst v0  }
0x85: {  	[tilespmem:$0x1A0] =	vst v1  }
0x86: {  	[hbm4b:s3+s2] =	stream.linear.scatter [tilespmem:s5], [sflag:$0x1], $0x40, $0x38;
	[tilespmem:$0x280] =	vst v63  }
0x87: {  	_ =	swait.ge [sflag:s4], $0x40  }
0x88: {  	[sflag:s4] =	ssyncset.done $0x0  }
0x89: {  	[sflag:s4] =	ssyncadd.s32 $0xFFFFFFC0  }
0x8a: {  	_ =	sfence.sel $0x180000  }
0x8b: {  	[bflag:$0x0] =	sbarrier.arrive $0xFFFF  }
0x8c: {  	p0 =	sne.s32 s1, $0x0;
	_ =	strace $0x90000047  }
0x8d: {  	s0 =	sadd.s32 @!p0 $0x100000, s0;
	[bflag:$0x2] =	sbarrier.arrive $0xFFFF  }
0x8e: {  	[sflag:s0] =	ssyncadd.tile.s32 @!p0 $0x1;
	_ =	shalt  }
.Lfunc_end2:
_tile_overlayer_lowered:
.L_overlay_start_2:
0x8f: {  	(tag) =	ssettag $0x2  }
0x90: {  	s0 =	rddreg [dreg:$0x0];
	s2 =	stileid.u32  }
0x91: {  	s1 =	rddreg [dreg:$0x1];
	p0 =	sne.s32 s2, $0x0  }
0x92: {  	s3 =	rddreg [dreg:$0x2];
	[bflag:$0x3] =	sbarrier.arrive $0xFFFF;
	s2 =	simm.s32 @!p0 $0x1C01  }
0x93: {  	[timem:s3], [sflag:s2] =	dma.local @!p0 [hbm:s0], s1  }
0x94: {  	s0 =	simm.s32 @!p0 $0x1  }
0x95: {  	_ =	swait.ge @!p0 [sflag:s0], s1  }
0x96: {  	s1 =	ssub.s32 @!p0 $0x0, s1;
	[sflag:s0] =	ssyncset.done @!p0 $0x0  }
0x97: {  	[sflag:s0] =	ssyncadd.s32 @!p0 s1  }
0x98: {  	[bflag:$0x3] =	sbarrier.arrive $0xFFFF  }
0x99: {  	_ =	shalt  }

</sc_bundles>
